<compile_context>
chip_gen: v7x
topology: tpu7x:2x2x1
jax: 0.10.2.dev20260603
libtpu: 0.0.44.dev20260713+nightly
codegen_flags: <defaults>
</compile_context>

<pallas_src>
import functools

import jax
import jax.numpy as jnp
from jax import lax
from jax.experimental import pallas as pl
from jax.experimental.pallas import tpu as pltpu
import jax.experimental.pallas.tpu_sc as plsc

N = 10000
E = 320000
F = 128
L = 16
NC = 2
NS = 16
NW = NC * NS
CH = 128
CHUNKS = 80
EPAD = NW * CHUNKS * CH
NACC = NS * 632
CROWS = NACC // CH
RB = 1000


def _tc_matmul_body(f_ref, w_ref, y_ref):
    y_ref[...] = jnp.dot(f_ref[...], w_ref[...],
                         preferred_element_type=jnp.float32)


def _tc_combine_body(y_ref, p0_ref, p1_ref, c_ref, out_ref):
    ssum = p0_ref[...] + p1_ref[...]
    cnt = jnp.sum(c_ref[...], axis=1)
    mean = ssum / jnp.maximum(cnt, 1.0)[:, None]
    out_ref[:, :F] = jnp.maximum(y_ref[...], 0.0)
    out_ref[:, F:] = jnp.maximum(mean, 0.0)


def _sc_body(yext, srcs, dsts, zsum, zcnt, out_sum, out_cnt,
             src_v, dst_v, rows_v, hist_v, acc_sh, sem):
    c = lax.axis_index("c")
    s = lax.axis_index("s")
    wid = s * NC + c
    base = wid * (CHUNKS * CH)

    pltpu.sync_copy(zsum.at[pl.ds(s * 632, 632)], acc_sh.at[pl.ds(s * 632, 632)])
    pltpu.sync_copy(zcnt, hist_v)

    plsc.subcore_barrier()

    ones16 = jnp.full((L,), 1.0, jnp.float32)

    def chunk(j, carry):
        off = base + j * CH
        pltpu.sync_copy(srcs.at[pl.ds(off, CH)], src_v)
        pltpu.sync_copy(dsts.at[pl.ds(off, CH)], dst_v)
        pltpu.async_copy(yext.at[src_v], rows_v, sem).wait()
        pltpu.sync_copy(rows_v, acc_sh.at[dst_v], add=True)
        for k in range(CH // L):
            idx = dst_v[pl.ds(k * L, L)]
            plsc.addupdate_scatter(hist_v, [idx], ones16)
        return carry

    lax.fori_loop(0, CHUNKS, chunk, 0)

    pltpu.sync_copy(hist_v, out_cnt.at[wid])

    plsc.subcore_barrier()

    @pl.when(s < NS - 1)
    def _():
        pltpu.sync_copy(acc_sh.at[pl.ds(s * 632, 632)],
                        out_sum.at[pl.ds(c * N + s * 632, 632)])

    @pl.when(s == NS - 1)
    def _():
        pltpu.sync_copy(acc_sh.at[pl.ds((NS - 1) * 632, 520)],
                        out_sum.at[pl.ds(c * N + (NS - 1) * 632, 520)])


_sc_segsum = functools.partial(
    pl.kernel,
    out_type=(jax.ShapeDtypeStruct((NC * N, F), jnp.float32),
              jax.ShapeDtypeStruct((NW, NACC), jnp.float32)),
    mesh=plsc.VectorSubcoreMesh(core_axis_name="c", subcore_axis_name="s",
                                num_cores=NC, num_subcores=NS),
    compiler_params=pltpu.CompilerParams(needs_layout_passes=False),
    scratch_types=[
        pltpu.VMEM((CH,), jnp.int32),
        pltpu.VMEM((CH,), jnp.int32),
        pltpu.VMEM((CH, F), jnp.float32),
        pltpu.VMEM((NACC,), jnp.float32),
        pltpu.VMEM_SHARED((NACC, F), jnp.float32),
        pltpu.SemaphoreType.DMA,
    ],
)(_sc_body)


@jax.jit
def kernel(features, edge_index, W):
    src = edge_index[1]
    dst = edge_index[0]
    pad = EPAD - E
    srcs = jnp.concatenate([src, jnp.zeros((pad,), jnp.int32)])
    dsts = jnp.concatenate([dst, jnp.full((pad,), N, jnp.int32)])
    zsum = jnp.zeros((NACC, F), jnp.float32)
    zcnt = jnp.zeros((NACC,), jnp.float32)

    yext = pl.pallas_call(
        _tc_matmul_body,
        grid=(N // RB,),
        in_specs=[
            pl.BlockSpec((RB, F), lambda i: (i, 0)),
            pl.BlockSpec((F, F), lambda i: (0, 0)),
        ],
        out_specs=pl.BlockSpec((RB, F), lambda i: (i, 0)),
        out_shape=jax.ShapeDtypeStruct((N, F), jnp.float32),
    )(features, W)

    psum, pcnt = _sc_segsum(yext, srcs, dsts, zsum, zcnt)
    pcnt_t = pcnt.T[:N]

    nb = N // RB

    out = pl.pallas_call(
        _tc_combine_body,
        grid=(nb,),
        in_specs=[
            pl.BlockSpec((RB, F), lambda i: (i, 0)),
            pl.BlockSpec((RB, F), lambda i: (i, 0)),
            pl.BlockSpec((RB, F), lambda i: (i + nb, 0)),
            pl.BlockSpec((RB, NW), lambda i: (i, 0)),
        ],
        out_specs=pl.BlockSpec((RB, 2 * F), lambda i: (i, 0)),
        out_shape=jax.ShapeDtypeStruct((N, 2 * F), jnp.float32),
    )(yext, psum, psum, pcnt_t)

    return out

# --- scband reference (transcript-rebuilt; emitter-appended) ---
"""Pipeline reference for scband-graph-conv1-29738353557517 (READ-ONLY COPY).

The authoritative reference and input builder live on the scoring server;
editing this copy changes nothing except your own understanding.
"""

import jax, jax.numpy as jnp
import numpy as np

N_NODES = 10000
N_EDGES = 320000
IN_FEAT = 128
OUT_FEAT = 128


def setup_inputs(seed: int = 0) -> dict:
    key = jax.random.key(seed)
    k1, k2, k3 = jax.random.split(key, 3)
    features = jax.random.normal(k1, (N_NODES, IN_FEAT), dtype=jnp.float32)
    edge_index = jax.random.randint(k2, (2, N_EDGES), 0, N_NODES)
    limit = float(np.sqrt(6.0 / (IN_FEAT + OUT_FEAT)))
    W = jax.random.uniform(k3, (IN_FEAT, OUT_FEAT), minval=-limit, maxval=limit, dtype=jnp.float32)
    return {"features": features, "edge_index": edge_index, "W": W}


def reference(features, edge_index, W):
    # compute_nodes_representation: features @ W
    nodes_representation = jnp.matmul(features, W)
    # compute_aggregated_messages: gather neighbours by edges[1], unsorted_segment_mean over edges[0]
    neighbour_representations = jnp.take(features, edge_index[1], axis=0)
    segment_ids = edge_index[0]
    summed = jax.ops.segment_sum(neighbour_representations, segment_ids, num_segments=N_NODES)
    counts = jax.ops.segment_sum(jnp.ones((neighbour_representations.shape[0],), dtype=jnp.float32), segment_ids, num_segments=N_NODES)
    # tf.math.unsorted_segment_mean returns 0 for empty segments
    mean = jnp.where(counts[:, None] > 0, summed / jnp.maximum(counts, 1.0)[:, None], 0.0)
    aggregated_messages = jnp.matmul(mean, W)
    # update: concat + relu
    h = jnp.concatenate([nodes_representation, aggregated_messages], axis=-1)
    return jax.nn.relu(h)

if __name__ == "__main__":
    import jax
    _d = setup_inputs()
    print(jax.jit(kernel)(*tuple(_d.values())))

</pallas_src>

<mosaic_0001>
#map = affine_map<(d0, d1) -> (0, 0)>
#map1 = affine_map<(d0, d1) -> (0)>
module attributes {stable_mosaic.version = 14 : i64} {
  func.func @_sc_body(%arg0: i32, %arg1: i32, %arg2: memref<10000x128xf32, #tpu.memory_space<hbm>>, %arg3: memref<327680xi32, #tpu.memory_space<hbm>>, %arg4: memref<327680xi32, #tpu.memory_space<hbm>>, %arg5: memref<10112x128xf32, #tpu.memory_space<hbm>>, %arg6: memref<10112xf32, #tpu.memory_space<hbm>>, %arg7: memref<20000x128xf32, #tpu.memory_space<hbm>>, %arg8: memref<32x10112xf32, #tpu.memory_space<hbm>>, %arg9: memref<128xi32, #tpu.memory_space<vmem>>, %arg10: memref<128xi32, #tpu.memory_space<vmem>>, %arg11: memref<128x128xf32, #tpu.memory_space<vmem>>, %arg12: memref<10112xf32, #tpu.memory_space<vmem>>, %arg13: memref<10112x128xf32, #tpu.memory_space<vmem_shared>>, %arg14: memref<!tpu.dma_semaphore, #tpu.memory_space<semaphore_mem>>) attributes {dimension_semantics = [#tpu.dimension_semantics<core_parallel>, #tpu.dimension_semantics<subcore_parallel>], iteration_bounds = array<i64: 2, 16>, scalar_prefetch = 0 : i64, scratch_operands = 6 : i64, tpu.core_type = #tpu.core_type<sc_vector_subcore>, window_params = [{transform_indices = #map}, {transform_indices = #map1}, {transform_indices = #map1}, {transform_indices = #map}, {transform_indices = #map1}, {transform_indices = #map}, {transform_indices = #map}]} {
    %mul3A = arith.constant 2 : i32
    %mul3A_0 = arith.muli %arg1, %mul3A : i32
    %add3A = arith.addi %mul3A_0, %arg0 : i32
    %mul3A_1 = arith.constant 10240 : i32
    %mul3A_2 = arith.muli %add3A, %mul3A_1 : i32
    %mul3A_3 = arith.constant 632 : i32
    %mul3A_4 = arith.muli %arg1, %mul3A_3 : i32
    %mul3A_5 = arith.constant 632 : i32
    %mul3A_6 = arith.muli %arg1, %mul3A_5 : i32
    "tpu.region"() ({
      %run_scoped3A = tpu.sem_alloc : memref<!tpu.dma_semaphore, #tpu.memory_space<semaphore_mem>>
      %dma_start3A = arith.constant 0 : i32
      %dma_start3A_20 = tpu.memref_slice %arg13[%mul3A_6, %dma_start3A] : memref<10112x128xf32, #tpu.memory_space<vmem_shared>> -> memref<632x128xf32, #tpu.memory_space<vmem_shared>>
      %dma_start3A_21 = arith.constant 0 : i32
      %dma_start3A_22 = tpu.memref_slice %arg5[%mul3A_4, %dma_start3A_21] : memref<10112x128xf32, #tpu.memory_space<hbm>> -> memref<632x128xf32, #tpu.memory_space<hbm>>
      tpu.enqueue_dma source(%dma_start3A_22 : memref<632x128xf32, #tpu.memory_space<hbm>>) target(%dma_start3A_20 : memref<632x128xf32, #tpu.memory_space<vmem_shared>>) target_semaphore(%run_scoped3A : memref<!tpu.dma_semaphore, #tpu.memory_space<semaphore_mem>>)
      %dma_wait3A = arith.constant 0 : i32
      %dma_wait3A_23 = tpu.memref_slice %arg13[%mul3A_6, %dma_wait3A] : memref<10112x128xf32, #tpu.memory_space<vmem_shared>> -> memref<632x128xf32, #tpu.memory_space<vmem_shared>>
      %dma_wait3A_24 = arith.constant 0 : i32
      %dma_wait3A_25 = tpu.memref_slice %arg5[%mul3A_4, %dma_wait3A_24] : memref<10112x128xf32, #tpu.memory_space<hbm>> -> memref<632x128xf32, #tpu.memory_space<hbm>>
      tpu.wait_dma2 semaphore(%run_scoped3A : memref<!tpu.dma_semaphore, #tpu.memory_space<semaphore_mem>>) src(%dma_wait3A_25 : memref<632x128xf32, #tpu.memory_space<hbm>>) dst(%dma_wait3A_23 : memref<632x128xf32, #tpu.memory_space<vmem_shared>>)
      tpu.yield
    }) : () -> ()
    "tpu.region"() ({
      %run_scoped3A = tpu.sem_alloc : memref<!tpu.dma_semaphore, #tpu.memory_space<semaphore_mem>>
      tpu.enqueue_dma source(%arg6 : memref<10112xf32, #tpu.memory_space<hbm>>) target(%arg12 : memref<10112xf32, #tpu.memory_space<vmem>>) target_semaphore(%run_scoped3A : memref<!tpu.dma_semaphore, #tpu.memory_space<semaphore_mem>>)
      tpu.wait_dma2 semaphore(%run_scoped3A : memref<!tpu.dma_semaphore, #tpu.memory_space<semaphore_mem>>) src(%arg6 : memref<10112xf32, #tpu.memory_space<hbm>>) dst(%arg12 : memref<10112xf32, #tpu.memory_space<vmem>>)
      tpu.yield
    }) : () -> ()
    %barrier3A = arith.constant 0 : index
    tpu.barrier barrier_id(%barrier3A)
    %broadcast_in_dim3A = arith.constant 1.000000e+00 : f32
    %broadcast_in_dim3A_7 = vector.broadcast %broadcast_in_dim3A : f32 to vector<16xf32>
    %scan3A = arith.constant 0 : i32
    %scan3A_8 = arith.constant 0 : i32
    %scan3A_9 = arith.constant 80 : i32
    %scan3A_10 = arith.addi %scan3A_8, %scan3A_9 : i32
    %scan3A_11 = arith.constant 1 : i32
    scf.for %scan3A_20 = %scan3A_8 to %scan3A_10 step %scan3A_11  : i32 {
      %mul3A_21 = arith.constant 128 : i32
      %mul3A_22 = arith.muli %scan3A_20, %mul3A_21 : i32
      %add3A_23 = arith.addi %mul3A_2, %mul3A_22 : i32
      "tpu.region"() ({
        %run_scoped3A = tpu.sem_alloc : memref<!tpu.dma_semaphore, #tpu.memory_space<semaphore_mem>>
        %dma_start3A_43 = tpu.memref_slice %arg3[%add3A_23] : memref<327680xi32, #tpu.memory_space<hbm>> -> memref<128xi32, #tpu.memory_space<hbm>>
        %dma_start3A_44 = tpu.memref_slice %arg3[%add3A_23] : memref<327680xi32, #tpu.memory_space<hbm>> -> memref<128xi32, #tpu.memory_space<hbm>>
        tpu.enqueue_dma source(%dma_start3A_44 : memref<128xi32, #tpu.memory_space<hbm>>) target(%arg9 : memref<128xi32, #tpu.memory_space<vmem>>) target_semaphore(%run_scoped3A : memref<!tpu.dma_semaphore, #tpu.memory_space<semaphore_mem>>)
        %dma_wait3A_45 = tpu.memref_slice %arg3[%add3A_23] : memref<327680xi32, #tpu.memory_space<hbm>> -> memref<128xi32, #tpu.memory_space<hbm>>
        %dma_wait3A_46 = tpu.memref_slice %arg3[%add3A_23] : memref<327680xi32, #tpu.memory_space<hbm>> -> memref<128xi32, #tpu.memory_space<hbm>>
        tpu.wait_dma2 semaphore(%run_scoped3A : memref<!tpu.dma_semaphore, #tpu.memory_space<semaphore_mem>>) src(%dma_wait3A_46 : memref<128xi32, #tpu.memory_space<hbm>>) dst(%arg9 : memref<128xi32, #tpu.memory_space<vmem>>)
        tpu.yield
      }) : () -> ()
      "tpu.region"() ({
        %run_scoped3A = tpu.sem_alloc : memref<!tpu.dma_semaphore, #tpu.memory_space<semaphore_mem>>
        %dma_start3A_43 = tpu.memref_slice %arg4[%add3A_23] : memref<327680xi32, #tpu.memory_space<hbm>> -> memref<128xi32, #tpu.memory_space<hbm>>
        %dma_start3A_44 = tpu.memref_slice %arg4[%add3A_23] : memref<327680xi32, #tpu.memory_space<hbm>> -> memref<128xi32, #tpu.memory_space<hbm>>
        tpu.enqueue_dma source(%dma_start3A_44 : memref<128xi32, #tpu.memory_space<hbm>>) target(%arg10 : memref<128xi32, #tpu.memory_space<vmem>>) target_semaphore(%run_scoped3A : memref<!tpu.dma_semaphore, #tpu.memory_space<semaphore_mem>>)
        %dma_wait3A_45 = tpu.memref_slice %arg4[%add3A_23] : memref<327680xi32, #tpu.memory_space<hbm>> -> memref<128xi32, #tpu.memory_space<hbm>>
        %dma_wait3A_46 = tpu.memref_slice %arg4[%add3A_23] : memref<327680xi32, #tpu.memory_space<hbm>> -> memref<128xi32, #tpu.memory_space<hbm>>
        tpu.wait_dma2 semaphore(%run_scoped3A : memref<!tpu.dma_semaphore, #tpu.memory_space<semaphore_mem>>) src(%dma_wait3A_46 : memref<128xi32, #tpu.memory_space<hbm>>) dst(%arg10 : memref<128xi32, #tpu.memory_space<vmem>>)
        tpu.yield
      }) : () -> ()
      %dma_start3A = arith.constant 0 : i32
      %dma_start3A_24 = arith.constant 0 : i32
      %dma_start3A_25 = tpu.memref_slice %arg2[%dma_start3A, %dma_start3A_24] : memref<10000x128xf32, #tpu.memory_space<hbm>> -> memref<10000x128xf32, #tpu.memory_space<hbm>>
      tpu.enqueue_indirect_dma source(%dma_start3A_25 : memref<10000x128xf32, #tpu.memory_space<hbm>>) target(%arg11 : memref<128x128xf32, #tpu.memory_space<vmem>>) offsets(%arg9 : memref<128xi32, #tpu.memory_space<vmem>>) semaphore(%arg14 : memref<!tpu.dma_semaphore, #tpu.memory_space<semaphore_mem>>)
      %dma_wait3A = arith.constant 0 : i32
      %dma_wait3A_26 = arith.constant 0 : i32
      %dma_wait3A_27 = tpu.memref_slice %arg2[%dma_wait3A, %dma_wait3A_26] : memref<10000x128xf32, #tpu.memory_space<hbm>> -> memref<10000x128xf32, #tpu.memory_space<hbm>>
      tpu.wait_indirect_dma semaphore(%arg14 : memref<!tpu.dma_semaphore, #tpu.memory_space<semaphore_mem>>) src(%dma_wait3A_27 : memref<10000x128xf32, #tpu.memory_space<hbm>>) dst(%arg11 : memref<128x128xf32, #tpu.memory_space<vmem>>)
      "tpu.region"() ({
        %run_scoped3A = tpu.sem_alloc : memref<!tpu.dma_semaphore, #tpu.memory_space<semaphore_mem>>
        %dma_start3A_43 = arith.constant 0 : i32
        %dma_start3A_44 = arith.constant 0 : i32
        %dma_start3A_45 = tpu.memref_slice %arg13[%dma_start3A_43, %dma_start3A_44] : memref<10112x128xf32, #tpu.memory_space<vmem_shared>> -> memref<10112x128xf32, #tpu.memory_space<vmem_shared>>
        tpu.enqueue_indirect_dma source(%arg11 : memref<128x128xf32, #tpu.memory_space<vmem>>) target(%dma_start3A_45 : memref<10112x128xf32, #tpu.memory_space<vmem_shared>>) offsets(%arg10 : memref<128xi32, #tpu.memory_space<vmem>>) semaphore(%run_scoped3A : memref<!tpu.dma_semaphore, #tpu.memory_space<semaphore_mem>>) {add = true}
        %dma_wait3A_46 = arith.constant 0 : i32
        %dma_wait3A_47 = arith.constant 0 : i32
        %dma_wait3A_48 = tpu.memref_slice %arg13[%dma_wait3A_46, %dma_wait3A_47] : memref<10112x128xf32, #tpu.memory_space<vmem_shared>> -> memref<10112x128xf32, #tpu.memory_space<vmem_shared>>
        tpu.wait_indirect_dma semaphore(%run_scoped3A : memref<!tpu.dma_semaphore, #tpu.memory_space<semaphore_mem>>) src(%arg11 : memref<128x128xf32, #tpu.memory_space<vmem>>) dst(%dma_wait3A_48 : memref<10112x128xf32, #tpu.memory_space<vmem_shared>>)
        tpu.yield
      }) : () -> ()
      %get3A = arith.constant 0 : index
      %get3A_28 = tpu.vector_load %arg10[%get3A] {strides = array<i32>} : memref<128xi32, #tpu.memory_space<vmem>>, vector<16xi32>,
      tpu.vector_store_idx %arg12[%get3A_28], %broadcast_in_dim3A_7 {add = true} : memref<10112xf32, #tpu.memory_space<vmem>>[vector<16xi32>], vector<16xf32>,
      %get3A_29 = arith.constant 16 : index
      %get3A_30 = tpu.vector_load %arg10[%get3A_29] {strides = array<i32>} : memref<128xi32, #tpu.memory_space<vmem>>, vector<16xi32>,
      tpu.vector_store_idx %arg12[%get3A_30], %broadcast_in_dim3A_7 {add = true} : memref<10112xf32, #tpu.memory_space<vmem>>[vector<16xi32>], vector<16xf32>,
      %get3A_31 = arith.constant 32 : index
      %get3A_32 = tpu.vector_load %arg10[%get3A_31] {strides = array<i32>} : memref<128xi32, #tpu.memory_space<vmem>>, vector<16xi32>,
      tpu.vector_store_idx %arg12[%get3A_32], %broadcast_in_dim3A_7 {add = true} : memref<10112xf32, #tpu.memory_space<vmem>>[vector<16xi32>], vector<16xf32>,
      %get3A_33 = arith.constant 48 : index
      %get3A_34 = tpu.vector_load %arg10[%get3A_33] {strides = array<i32>} : memref<128xi32, #tpu.memory_space<vmem>>, vector<16xi32>,
      tpu.vector_store_idx %arg12[%get3A_34], %broadcast_in_dim3A_7 {add = true} : memref<10112xf32, #tpu.memory_space<vmem>>[vector<16xi32>], vector<16xf32>,
      %get3A_35 = arith.constant 64 : index
      %get3A_36 = tpu.vector_load %arg10[%get3A_35] {strides = array<i32>} : memref<128xi32, #tpu.memory_space<vmem>>, vector<16xi32>,
      tpu.vector_store_idx %arg12[%get3A_36], %broadcast_in_dim3A_7 {add = true} : memref<10112xf32, #tpu.memory_space<vmem>>[vector<16xi32>], vector<16xf32>,
      %get3A_37 = arith.constant 80 : index
      %get3A_38 = tpu.vector_load %arg10[%get3A_37] {strides = array<i32>} : memref<128xi32, #tpu.memory_space<vmem>>, vector<16xi32>,
      tpu.vector_store_idx %arg12[%get3A_38], %broadcast_in_dim3A_7 {add = true} : memref<10112xf32, #tpu.memory_space<vmem>>[vector<16xi32>], vector<16xf32>,
      %get3A_39 = arith.constant 96 : index
      %get3A_40 = tpu.vector_load %arg10[%get3A_39] {strides = array<i32>} : memref<128xi32, #tpu.memory_space<vmem>>, vector<16xi32>,
      tpu.vector_store_idx %arg12[%get3A_40], %broadcast_in_dim3A_7 {add = true} : memref<10112xf32, #tpu.memory_space<vmem>>[vector<16xi32>], vector<16xf32>,
      %get3A_41 = arith.constant 112 : index
      %get3A_42 = tpu.vector_load %arg10[%get3A_41] {strides = array<i32>} : memref<128xi32, #tpu.memory_space<vmem>>, vector<16xi32>,
      tpu.vector_store_idx %arg12[%get3A_42], %broadcast_in_dim3A_7 {add = true} : memref<10112xf32, #tpu.memory_space<vmem>>[vector<16xi32>], vector<16xf32>,
    }
    %scan3A_12 = arith.constant 80 : i32
    "tpu.region"() ({
      %run_scoped3A = tpu.sem_alloc : memref<!tpu.dma_semaphore, #tpu.memory_space<semaphore_mem>>
      %dma_start3A = arith.constant 0 : i32
      %dma_start3A_20 = tpu.memref_slice %arg8[%add3A, %dma_start3A] : memref<32x10112xf32, #tpu.memory_space<hbm>> -> memref<1x10112xf32, #tpu.memory_space<hbm>>
      %dma_start3A_21 = tpu.memref_squeeze %dma_start3A_20 : memref<1x10112xf32, #tpu.memory_space<hbm>> -> memref<10112xf32, #tpu.memory_space<hbm>>
      %dma_start3A_22 = arith.constant 0 : i32
      %dma_start3A_23 = tpu.memref_slice %arg8[%add3A, %dma_start3A_22] : memref<32x10112xf32, #tpu.memory_space<hbm>> -> memref<1x10112xf32, #tpu.memory_space<hbm>>
      %dma_start3A_24 = tpu.memref_squeeze %dma_start3A_23 : memref<1x10112xf32, #tpu.memory_space<hbm>> -> memref<10112xf32, #tpu.memory_space<hbm>>
      tpu.enqueue_dma source(%arg12 : memref<10112xf32, #tpu.memory_space<vmem>>) target(%dma_start3A_24 : memref<10112xf32, #tpu.memory_space<hbm>>) target_semaphore(%run_scoped3A : memref<!tpu.dma_semaphore, #tpu.memory_space<semaphore_mem>>)
      %dma_wait3A = arith.constant 0 : i32
      %dma_wait3A_25 = tpu.memref_slice %arg8[%add3A, %dma_wait3A] : memref<32x10112xf32, #tpu.memory_space<hbm>> -> memref<1x10112xf32, #tpu.memory_space<hbm>>
      %dma_wait3A_26 = tpu.memref_squeeze %dma_wait3A_25 : memref<1x10112xf32, #tpu.memory_space<hbm>> -> memref<10112xf32, #tpu.memory_space<hbm>>
      %dma_wait3A_27 = arith.constant 0 : i32
      %dma_wait3A_28 = tpu.memref_slice %arg8[%add3A, %dma_wait3A_27] : memref<32x10112xf32, #tpu.memory_space<hbm>> -> memref<1x10112xf32, #tpu.memory_space<hbm>>
      %dma_wait3A_29 = tpu.memref_squeeze %dma_wait3A_28 : memref<1x10112xf32, #tpu.memory_space<hbm>> -> memref<10112xf32, #tpu.memory_space<hbm>>
      tpu.wait_dma2 semaphore(%run_scoped3A : memref<!tpu.dma_semaphore, #tpu.memory_space<semaphore_mem>>) src(%arg12 : memref<10112xf32, #tpu.memory_space<vmem>>) dst(%dma_wait3A_29 : memref<10112xf32, #tpu.memory_space<hbm>>)
      tpu.yield
    }) : () -> ()
    %barrier3A_13 = arith.constant 0 : index
    tpu.barrier barrier_id(%barrier3A_13)
    %lt3A = arith.constant 15 : i32
    %lt3A_14 = arith.cmpi slt, %arg1, %lt3A : i32
    %convert_element_type3A = arith.extui %lt3A_14 : i1 to i32
    %cond3A = arith.constant 0 : i32
    %cond3A_15 = arith.cmpi ne, %convert_element_type3A, %cond3A : i32
    scf.if %cond3A_15 {
      %mul3A_20 = arith.constant 632 : i32
      %mul3A_21 = arith.muli %arg1, %mul3A_20 : i32
      %mul3A_22 = arith.constant 10000 : i32
      %mul3A_23 = arith.muli %arg0, %mul3A_22 : i32
      %mul3A_24 = arith.constant 632 : i32
      %mul3A_25 = arith.muli %arg1, %mul3A_24 : i32
      %add3A_26 = arith.addi %mul3A_23, %mul3A_25 : i32
      "tpu.region"() ({
        %run_scoped3A = tpu.sem_alloc : memref<!tpu.dma_semaphore, #tpu.memory_space<semaphore_mem>>
        %dma_start3A = arith.constant 0 : i32
        %dma_start3A_27 = tpu.memref_slice %arg7[%add3A_26, %dma_start3A] : memref<20000x128xf32, #tpu.memory_space<hbm>> -> memref<632x128xf32, #tpu.memory_space<hbm>>
        %dma_start3A_28 = arith.constant 0 : i32
        %dma_start3A_29 = tpu.memref_slice %arg13[%mul3A_21, %dma_start3A_28] : memref<10112x128xf32, #tpu.memory_space<vmem_shared>> -> memref<632x128xf32, #tpu.memory_space<vmem_shared>>
        tpu.enqueue_dma source(%dma_start3A_29 : memref<632x128xf32, #tpu.memory_space<vmem_shared>>) target(%dma_start3A_27 : memref<632x128xf32, #tpu.memory_space<hbm>>) target_semaphore(%run_scoped3A : memref<!tpu.dma_semaphore, #tpu.memory_space<semaphore_mem>>)
        %dma_wait3A = arith.constant 0 : i32
        %dma_wait3A_30 = tpu.memref_slice %arg7[%add3A_26, %dma_wait3A] : memref<20000x128xf32, #tpu.memory_space<hbm>> -> memref<632x128xf32, #tpu.memory_space<hbm>>
        %dma_wait3A_31 = arith.constant 0 : i32
        %dma_wait3A_32 = tpu.memref_slice %arg13[%mul3A_21, %dma_wait3A_31] : memref<10112x128xf32, #tpu.memory_space<vmem_shared>> -> memref<632x128xf32, #tpu.memory_space<vmem_shared>>
        tpu.wait_dma2 semaphore(%run_scoped3A : memref<!tpu.dma_semaphore, #tpu.memory_space<semaphore_mem>>) src(%dma_wait3A_32 : memref<632x128xf32, #tpu.memory_space<vmem_shared>>) dst(%dma_wait3A_30 : memref<632x128xf32, #tpu.memory_space<hbm>>)
        tpu.yield
      }) : () -> ()
    } else {
    }
    %eq3A = arith.constant 15 : i32
    %eq3A_16 = arith.cmpi eq, %arg1, %eq3A : i32
    %convert_element_type3A_17 = arith.extui %eq3A_16 : i1 to i32
    %cond3A_18 = arith.constant 0 : i32
    %cond3A_19 = arith.cmpi ne, %convert_element_type3A_17, %cond3A_18 : i32
    scf.if %cond3A_19 {
      %mul3A_20 = arith.constant 10000 : i32
      %mul3A_21 = arith.muli %arg0, %mul3A_20 : i32
      %add3A_22 = arith.constant 9480 : i32
      %add3A_23 = arith.addi %mul3A_21, %add3A_22 : i32
      "tpu.region"() ({
        %run_scoped3A = tpu.sem_alloc : memref<!tpu.dma_semaphore, #tpu.memory_space<semaphore_mem>>
        %dma_start3A = arith.constant 0 : i32
        %dma_start3A_24 = tpu.memref_slice %arg7[%add3A_23, %dma_start3A] : memref<20000x128xf32, #tpu.memory_space<hbm>> -> memref<520x128xf32, #tpu.memory_space<hbm>>
        %dma_start3A_25 = arith.constant 9480 : i32
        %dma_start3A_26 = arith.constant 0 : i32
        %dma_start3A_27 = tpu.memref_slice %arg13[%dma_start3A_25, %dma_start3A_26] : memref<10112x128xf32, #tpu.memory_space<vmem_shared>> -> memref<520x128xf32, #tpu.memory_space<vmem_shared>>
        tpu.enqueue_dma source(%dma_start3A_27 : memref<520x128xf32, #tpu.memory_space<vmem_shared>>) target(%dma_start3A_24 : memref<520x128xf32, #tpu.memory_space<hbm>>) target_semaphore(%run_scoped3A : memref<!tpu.dma_semaphore, #tpu.memory_space<semaphore_mem>>)
        %dma_wait3A = arith.constant 0 : i32
        %dma_wait3A_28 = tpu.memref_slice %arg7[%add3A_23, %dma_wait3A] : memref<20000x128xf32, #tpu.memory_space<hbm>> -> memref<520x128xf32, #tpu.memory_space<hbm>>
        %dma_wait3A_29 = arith.constant 9480 : i32
        %dma_wait3A_30 = arith.constant 0 : i32
        %dma_wait3A_31 = tpu.memref_slice %arg13[%dma_wait3A_29, %dma_wait3A_30] : memref<10112x128xf32, #tpu.memory_space<vmem_shared>> -> memref<520x128xf32, #tpu.memory_space<vmem_shared>>
        tpu.wait_dma2 semaphore(%run_scoped3A : memref<!tpu.dma_semaphore, #tpu.memory_space<semaphore_mem>>) src(%dma_wait3A_31 : memref<520x128xf32, #tpu.memory_space<vmem_shared>>) dst(%dma_wait3A_28 : memref<520x128xf32, #tpu.memory_space<hbm>>)
        tpu.yield
      }) : () -> ()
    } else {
    }
    return
  }
}

module attributes {stable_mosaic.version = 14 : i64} {
  func.func @_tc_matmul_body(%arg0: i32, %arg1: memref<1000x128xf32, #tpu.memory_space<vmem>>, %arg2: memref<128x128xf32, #tpu.memory_space<vmem>>, %arg3: memref<1000x128xf32, #tpu.memory_space<vmem>>) attributes {dimension_semantics = [#tpu.dimension_semantics<arbitrary>], iteration_bounds = array<i64: 10>, scalar_prefetch = 0 : i64, scratch_operands = 0 : i64, tpu.core_type = #tpu.core_type<tc>, window_params = [{transform_indices = @transform_0, window_bounds = array<i64: 1000, 128>}, {pipeline_mode = #tpu.pipeline_mode<synchronous>, transform_indices = @transform_1, window_bounds = array<i64: 128, 128>}, {transform_indices = @transform_2, window_bounds = array<i64: 1000, 128>}]} {
    %get3A = arith.constant 0 : index
    %get3A_0 = arith.constant 0 : index
    %get3A_1 = vector.load %arg1[%get3A, %get3A_0] : memref<1000x128xf32, #tpu.memory_space<vmem>>, vector<1000x128xf32>
    %get3A_2 = arith.constant 0 : index
    %get3A_3 = arith.constant 0 : index
    %get3A_4 = vector.load %arg2[%get3A_2, %get3A_3] : memref<128x128xf32, #tpu.memory_space<vmem>>, vector<128x128xf32>
    %dot_general3A = arith.constant dense<0.000000e+00> : vector<1000x128xf32>
    %dot_general3A_5 = tpu.matmul %get3A_1, %get3A_4, %dot_general3A {dimension_numbers = #tpu.dot_dimension_numbers<[1], [0], [0], [1], [0, 0, 1, 1], [], []>, transpose_lhs_hint = false} : vector<1000x128xf32>, vector<128x128xf32>, vector<1000x128xf32> -> vector<1000x128xf32>
    %swap3A = arith.constant 0 : index
    %swap3A_6 = arith.constant 0 : index
    %swap3A_7 = vector.load %arg3[%swap3A, %swap3A_6] : memref<1000x128xf32, #tpu.memory_space<vmem>>, vector<1000x128xf32>
    tpu.vector_store %arg3[%swap3A, %swap3A_6], %dot_general3A_5 {strides = array<i32>} : memref<1000x128xf32, #tpu.memory_space<vmem>>, vector<1000x128xf32>,
    return
  }
  func.func @transform_0(%arg0: i32) -> (i32, i32) {
    %c0_i32 = arith.constant 0 : i32
    %c0_i32_0 = arith.constant 0 : i32
    return %arg0, %c0_i32 : i32, i32
  }
  func.func @transform_1(%arg0: i32) -> (i32, i32) {
    %c0_i32 = arith.constant 0 : i32
    %c0_i32_0 = arith.constant 0 : i32
    %c0_i32_1 = arith.constant 0 : i32
    return %c0_i32, %c0_i32_0 : i32, i32
  }
  func.func @transform_2(%arg0: i32) -> (i32, i32) {
    %c0_i32 = arith.constant 0 : i32
    %c0_i32_0 = arith.constant 0 : i32
    return %arg0, %c0_i32 : i32, i32
  }
}

module attributes {stable_mosaic.version = 14 : i64} {
  func.func @_tc_combine_body(%arg0: i32, %arg1: memref<1000x128xf32, #tpu.memory_space<vmem>>, %arg2: memref<1000x128xf32, #tpu.memory_space<vmem>>, %arg3: memref<1000x128xf32, #tpu.memory_space<vmem>>, %arg4: memref<1000x32xf32, #tpu.memory_space<vmem>>, %arg5: memref<1000x256xf32, #tpu.memory_space<vmem>>) attributes {dimension_semantics = [#tpu.dimension_semantics<arbitrary>], iteration_bounds = array<i64: 10>, scalar_prefetch = 0 : i64, scratch_operands = 0 : i64, tpu.core_type = #tpu.core_type<tc>, window_params = [{transform_indices = @transform_0, window_bounds = array<i64: 1000, 128>}, {transform_indices = @transform_1, window_bounds = array<i64: 1000, 128>}, {transform_indices = @transform_2, window_bounds = array<i64: 1000, 128>}, {transform_indices = @transform_3, window_bounds = array<i64: 1000, 32>}, {transform_indices = @transform_4, window_bounds = array<i64: 1000, 256>}]} {
    %get3A = arith.constant 0 : index
    %get3A_0 = arith.constant 0 : index
    %get3A_1 = vector.load %arg2[%get3A, %get3A_0] : memref<1000x128xf32, #tpu.memory_space<vmem>>, vector<1000x128xf32>
    %get3A_2 = arith.constant 0 : index
    %get3A_3 = arith.constant 0 : index
    %get3A_4 = vector.load %arg3[%get3A_2, %get3A_3] : memref<1000x128xf32, #tpu.memory_space<vmem>>, vector<1000x128xf32>
    %add3A = arith.addf %get3A_1, %get3A_4 : vector<1000x128xf32>
    %get3A_5 = arith.constant 0 : index
    %get3A_6 = arith.constant 0 : index
    %get3A_7 = vector.load %arg4[%get3A_5, %get3A_6] : memref<1000x32xf32, #tpu.memory_space<vmem>>, vector<1000x32xf32>
    %reduce_sum3A = arith.constant dense<0.000000e+00> : vector<1000xf32>
    %reduce_sum3A_8 = vector.multi_reduction <add>, %get3A_7, %reduce_sum3A [1] : vector<1000x32xf32> to vector<1000xf32>
    %max3A = arith.constant 1.000000e+00 : f32
    %max3A_9 = vector.broadcast %max3A : f32 to vector<1000xf32>
    %max3A_10 = arith.maximumf %reduce_sum3A_8, %max3A_9 : vector<1000xf32>
    %broadcast_in_dim3A = vector.shape_cast %max3A_10 : vector<1000xf32> to vector<1000x1xf32>
    %div3A = vector.broadcast %broadcast_in_dim3A : vector<1000x1xf32> to vector<1000x128xf32>
    %div3A_11 = arith.divf %add3A, %div3A : vector<1000x128xf32>
    %get3A_12 = arith.constant 0 : index
    %get3A_13 = arith.constant 0 : index
    %get3A_14 = vector.load %arg1[%get3A_12, %get3A_13] : memref<1000x128xf32, #tpu.memory_space<vmem>>, vector<1000x128xf32>
    %max3A_15 = arith.constant 0.000000e+00 : f32
    %max3A_16 = vector.broadcast %max3A_15 : f32 to vector<1000x128xf32>
    %max3A_17 = arith.maximumf %get3A_14, %max3A_16 : vector<1000x128xf32>
    %swap3A = arith.constant 0 : index
    %swap3A_18 = arith.constant 0 : index
    %swap3A_19 = vector.load %arg5[%swap3A, %swap3A_18] : memref<1000x256xf32, #tpu.memory_space<vmem>>, vector<1000x128xf32>
    tpu.vector_store %arg5[%swap3A, %swap3A_18], %max3A_17 {strides = array<i32>} : memref<1000x256xf32, #tpu.memory_space<vmem>>, vector<1000x128xf32>,
    %max3A_20 = arith.constant 0.000000e+00 : f32
    %max3A_21 = vector.broadcast %max3A_20 : f32 to vector<1000x128xf32>
    %max3A_22 = arith.maximumf %div3A_11, %max3A_21 : vector<1000x128xf32>
    %swap3A_23 = arith.constant 0 : index
    %swap3A_24 = arith.constant 128 : index
    %swap3A_25 = vector.load %arg5[%swap3A_23, %swap3A_24] : memref<1000x256xf32, #tpu.memory_space<vmem>>, vector<1000x128xf32>
    tpu.vector_store %arg5[%swap3A_23, %swap3A_24], %max3A_22 {strides = array<i32>} : memref<1000x256xf32, #tpu.memory_space<vmem>>, vector<1000x128xf32>,
    return
  }
  func.func @transform_0(%arg0: i32) -> (i32, i32) {
    %c0_i32 = arith.constant 0 : i32
    %c0_i32_0 = arith.constant 0 : i32
    return %arg0, %c0_i32 : i32, i32
  }
  func.func @transform_1(%arg0: i32) -> (i32, i32) {
    %c0_i32 = arith.constant 0 : i32
    %c0_i32_0 = arith.constant 0 : i32
    return %arg0, %c0_i32 : i32, i32
  }
  func.func @transform_2(%arg0: i32) -> (i32, i32) {
    %add3A = arith.constant 10 : i32
    %add3A_0 = arith.addi %arg0, %add3A : i32
    %c0_i32 = arith.constant 0 : i32
    %c0_i32_1 = arith.constant 0 : i32
    return %add3A_0, %c0_i32 : i32, i32
  }
  func.func @transform_3(%arg0: i32) -> (i32, i32) {
    %c0_i32 = arith.constant 0 : i32
    %c0_i32_0 = arith.constant 0 : i32
    return %arg0, %c0_i32 : i32, i32
  }
  func.func @transform_4(%arg0: i32) -> (i32, i32) {
    %c0_i32 = arith.constant 0 : i32
    %c0_i32_0 = arith.constant 0 : i32
    return %arg0, %c0_i32 : i32, i32
  }
}

</mosaic_0001>

<sc_bundles>
// kernel: kernel.5.cloned.1.call-start
scs
__scs_entry_jumppad:
0x0: {  	(pc) =	sbr.rel $0x88, $3  }
0x1: {  	(tag) =	ssettag $0x0;
	lr =	simm.s32 $0x1  }
0x2: {  	[smem:$0x3F9E] =	sst lr;
	_ =	strace $0xD0000000  }
0x3: {  	_ = 	snop  }
0x4: {  	_ = 	snop  }
0x5: {  	_ = 	snop  }
0x6: {  	_ = 	snop  }
0x7: {  	_ = 	snop  }
__scs_overlays_trampoline_lowered:
0x8: {  	[smem:$0x3FAD] =	sst s0  }
0x9: {  	[smem:$0x3FAE] =	sst s1  }
0xa: {  	[smem:$0x3FAF] =	sst s2  }
0xb: {  	[smem:$0x3FB0] =	sst s3  }
0xc: {  	[smem:$0x3FB1] =	sst s4  }
0xd: {  	[smem:$0x3FB2] =	sst s5  }
0xe: {  	[smem:$0x3FB3] =	sst s6  }
0xf: {  	[smem:$0x3FB4] =	sst s7  }
0x10: {  	[smem:$0x3FB5] =	sst s8  }
0x11: {  	[smem:$0x3FB6] =	sst s9;
	s0 =	simm.s32 @!p0 $0x0  }
0x12: {  	s1 =	sld [smem:$0x3F9C];
	s0 =	simm.s32 @p0 $0x1  }
0x13: {  	[smem:$0x3FB7] =	sst s0;
	s0 =	simm.s32 @!p1 $0x0  }
0x14: {  	s2 =	sld [smem:$0x3F9B];
	s0 =	simm.s32 @p1 $0x1  }
0x15: {  	[smem:$0x3FB8] =	sst s0;
	s0 =	simm.s32 @!p2 $0x0  }
0x16: {  	s3 =	sld [smem:$0x3FDB];
	s0 =	simm.s32 @p2 $0x1  }
0x17: {  	s4 =	simm.s32 $0x1BF5;
	[smem:$0x3FBA] =	sst s0  }
0x18: {  	s0 =	sld [smem:$0x3F9D];
	_ =	swait.ge [sflag:s4], $0x0  }
0x19: {  	s7 =	sld [smem:$0x3F9E]  }
0x1a: {  	s8 =	sadd.s32 $0xFFFFE003, lr  }
0x1b: {  	s9 =	sadd.s32 $0xFFFFFEF7, lr;
	s5 =	simm.s32 $0xFFFFFFFF;
	p2 =	slt.u32 s8, $0xFFFFF086  }
0x1c: {  	p1 =	slt.u32 s9, $0xF7A;
	s5 =	simm.s32 @!p2 $0x0  }
0x1d: {  	s5 =	simm.s32 @p1 $0x1;
	p0 =	seq.s32 s7, s2  }
0x1e: {  	s7 =	smul.u32 @!p0 $0xF7A, s2;
	p2 =	seq.s32 @!p0 s5, $0x0  }
0x1f: {  	s9 =	smul.u32 $0xF7A, s1;
	s8 =	simm.s32 @!p0 $0x1BF5;
	p2 =	por !p2, p0  }
0x20: {  	[sflag:s8] =	ssyncset.s32 @!p0 $0xFFFFF086;
	s6 =	sadd.s32 @!p0 s3, s7;
	s7 =	simm.s32 @!p0 $0x108  }
0x21: {  	s3 =	sadd.s32 s3, s9;
	s6 =	sadd.s32 @!p0 $0x88, s6;
	s7 =	simm.s32 @p2 $0x1082  }
0x22: {  	[simem:s7], [sflag:s8] =	dma.local @!p0 [hbm:s6], $0xF7A  }
0x23: {  	s9 =	sor.u32 $0xD0000000, s2;
	s6 =	simm.s32 $0x108;
	_ =	swait.ge @!p0 [sflag:s8], $0x0  }
0x24: {  	s3 =	sadd.s32 $0x88, s3;
	s6 =	simm.s32 @!p1 $0x1082;
	[sflag:s4] =	ssyncset.s32 $0xFFFFF086  }
0x25: {  	[simem:s6], [sflag:s4] =	dma.local [hbm:s3], $0xF7A  }
0x26: {  	[smem:$0x3F9E] =	sst s1;
	(tag) =	ssettag s2;
	_ =	strace s9  }
0x27: {  	s1 =	sld [smem:$0x3FAE]  }
0x28: {  	s2 =	sld [smem:$0x3FAF]  }
0x29: {  	s4 =	sld [smem:$0x3FB1]  }
0x2a: {  	p0 =	seq.s32 s5, $0x0;
	s5 =	sld [smem:$0x3FB2]  }
0x2b: {  	s6 =	sld [smem:$0x3FB3]  }
0x2c: {  	s7 =	sld [smem:$0x3FB4]  }
0x2d: {  	s3 =	simm.s32 $0x108;
	s8 =	sld [smem:$0x3FB5]  }
0x2e: {  	s3 =	simm.s32 @!p0 $0x1082;
	s9 =	sld [smem:$0x3FB6]  }
0x2f: {  	lr =	sadd.s32 s0, s3;
	s0 =	sld [smem:$0x3FAD]  }
0x30: {  	s3 =	sld [smem:$0x3FB0]  }
0x31: {  	[smem:$0x3FB9] =	sst s10  }
0x32: {  	s10 =	sld [smem:$0x3FB7];
	_ =	sdelay $0x3  }
0x33: {  	p0 =	seq.s32 s10, $0x1;
	s10 =	sld [smem:$0x3FB9];
	_ =	sdelay $0x3  }
0x34: {  	[smem:$0x3FB9] =	sst s10  }
0x35: {  	s10 =	sld [smem:$0x3FB8];
	_ =	sdelay $0x3  }
0x36: {  	p1 =	seq.s32 s10, $0x1;
	s10 =	sld [smem:$0x3FB9];
	_ =	sdelay $0x3  }
0x37: {  	[smem:$0x3FB9] =	sst s10  }
0x38: {  	s10 =	sld [smem:$0x3FBA]  }
0x39: {  	_ = 	snop;
	(pc) =	sbr.ind lr, $3  }
0x3a: {  	_ = 	snop  }
0x3b: {  	_ = 	snop  }
0x3c: {  	p2 =	seq.s32 s10, $0x1;
	s10 =	sld [smem:$0x3FB9]  }
0x3d: {  	_ =	shalt  }
0x3e: {  	_ =	shalt  }
0x3f: {  	_ =	shalt  }
0x40: {  	_ =	shalt  }
0x41: {  	_ =	shalt  }
0x42: {  	_ =	shalt  }
0x43: {  	_ =	shalt  }
0x44: {  	_ =	shalt  }
0x45: {  	_ =	shalt  }
0x46: {  	_ =	shalt  }
0x47: {  	_ =	shalt  }
0x48: {  	_ =	shalt  }
0x49: {  	_ =	shalt  }
0x4a: {  	_ =	shalt  }
0x4b: {  	_ =	shalt  }
0x4c: {  	_ =	shalt  }
0x4d: {  	_ =	shalt  }
0x4e: {  	_ =	shalt  }
0x4f: {  	_ =	shalt  }
0x50: {  	_ =	shalt  }
0x51: {  	_ =	shalt  }
0x52: {  	_ =	shalt  }
0x53: {  	_ =	shalt  }
0x54: {  	_ =	shalt  }
0x55: {  	_ =	shalt  }
0x56: {  	_ =	shalt  }
0x57: {  	_ =	shalt  }
0x58: {  	_ =	shalt  }
0x59: {  	_ =	shalt  }
0x5a: {  	_ =	shalt  }
0x5b: {  	_ =	shalt  }
0x5c: {  	_ =	shalt  }
0x5d: {  	_ =	shalt  }
0x5e: {  	_ =	shalt  }
0x5f: {  	_ =	shalt  }
0x60: {  	_ =	shalt  }
0x61: {  	_ =	shalt  }
0x62: {  	_ =	shalt  }
0x63: {  	_ =	shalt  }
0x64: {  	_ =	shalt  }
0x65: {  	_ =	shalt  }
0x66: {  	_ =	shalt  }
0x67: {  	_ =	shalt  }
0x68: {  	_ =	shalt  }
0x69: {  	_ =	shalt  }
0x6a: {  	_ =	shalt  }
0x6b: {  	_ =	shalt  }
0x6c: {  	_ =	shalt  }
0x6d: {  	_ =	shalt  }
0x6e: {  	_ =	shalt  }
0x6f: {  	_ =	shalt  }
0x70: {  	_ =	shalt  }
0x71: {  	_ =	shalt  }
0x72: {  	_ =	shalt  }
0x73: {  	_ =	shalt  }
0x74: {  	_ =	shalt  }
0x75: {  	_ =	shalt  }
0x76: {  	_ =	shalt  }
0x77: {  	_ =	shalt  }
0x78: {  	_ =	shalt  }
0x79: {  	_ =	shalt  }
0x7a: {  	_ =	shalt  }
0x7b: {  	_ =	shalt  }
0x7c: {  	_ =	shalt  }
0x7d: {  	_ =	shalt  }
0x7e: {  	_ =	shalt  }
0x7f: {  	_ =	shalt  }
0x80: {  	_ =	shalt  }
0x81: {  	_ =	shalt  }
0x82: {  	_ =	shalt  }
0x83: {  	_ =	shalt  }
0x84: {  	_ =	shalt  }
0x85: {  	_ =	shalt  }
0x86: {  	_ =	shalt  }
0x87: {  	_ =	shalt  }
.Lfunc_end0:
.L_simem_size_0:
called_computation_lowered:
.L_overlay_start_0:
0x88: {  	s2 =	sld [smem:$0x3FD9]  }
0x89: {  	s3 =	sld [smem:$0x3FFE];
	_ =	sdelay $0x1  }
0x8a: {  	s1 =	srdreg.scid  }
0x8b: {  	s0 =	sand.u32 $0x1, s1  }
0x8c: {  	s17 =	sshll.u32 s0, $0xA;
	s2 =	sadd.s32 s3, s2  }
0x8d: {  	s2 =	sadd.s32 s2, s17  }
0x8e: {  	[smem:$0x3FC5] =	sst s2  }
0x8f: {  	_ = 	snop  }
0x90: {  	s2 =	sld [smem:$0x3FD0];
	(tm) =	ssettm $0x1  }
0x91: {  	s18 =	sld [smem:$0x3FFB];
	_ =	sdelay $0x3  }
0x92: {  	_ =	strace s18  }
0x93: {  	s3 =	sld [smem:$0x3FFC];
	_ =	sdelay $0x3  }
0x94: {  	_ =	strace s3  }
0x95: {  	s3 =	sld [smem:$0x3FFD];
	_ =	sdelay $0x3  }
0x96: {  	_ =	strace s3  }
0x97: {  	_ =	strace $0x8FFFFFFF  }
0x98: {  	s19 =	sld [smem:$0x3FDB];
	_ =	sdelay $0x1  }
0x99: {  	s4 =	simm.s32 $_scs_section_size  }
0x9a: {  	s5 =	simm.s32 $_size__tile_overlayer_lowered;
	s6 =	simm.s32 $_tile_overlayer_lowered  }
0x9b: {  	s22 =	simm.s32 $0x1BFF;
	s21 =	sshll.u32 s6, $0x1;
	s3 =	sadd.s32 s4, s19  }
0x9c: {  	s7 =	simm.s32 $0x0;
	s20 =	sshll.u32 s5, $0x1;
	s5 =	sadd.s32 s21, s3  }
0x9d: {  	[timem:s7], [sflag:s22] =	dma.local [hbm:s5], s20  }
0x9e: {  	_ =	swait.ge [sflag:s22], s20  }
0x9f: {  	s4 =	ssub.s32 $0x0, s20;
	[sflag:s22] =	ssyncset.done $0x0  }
0xa0: {  	[sflag:s22] =	ssyncadd.s32 s4;
	_ =	sdelay $0x1  }
0xa1: {  	s23 =	simm.s32 $0x1B8B  }
0xa2: {  	_ =	swait.ge [sflag:s23], $0x1  }
0xa3: {  	[sflag:s23] =	ssyncset.done $0x0  }
0xa4: {  	s25 =	simm.s32 $0x1B8E;
	s24 =	sld [smem:$0x3FFE];
	[sflag:s23] =	ssyncadd.s32 $0xFFFFFFFF  }
0xa5: {  	s26 =	simm.s32 $execute0_lowered;
	[smem:$0x3FD2] =	sst s25  }
0xa6: {  	s5 =	sshll.u32 s26, $0x1;
	_ =	strace $0x80000046;
	[dreg:$0x1] =	wrdreg $0xFFFFFFFF  }
0xa7: {  	s28 =	simm.s32 $_size_execute0_lowered;
	s3 =	sadd.s32 s3, s5;
	[dreg:$0x0] =	wrdreg $0x0  }
0xa8: {  	s5 =	sshll.u32 s28, $0x1;
	[dreg:$0x2] =	wrdreg s3  }
0xa9: {  	[dreg:$0x3] =	wrdreg s5  }
0xaa: {  	[dreg:$0x4] =	wrdreg $0xC0  }
0xab: {  	_ =	task [dreg:s7], $0x5FFFF  }
0xac: {  	[dreg:$0x1] =	wrdreg $0xFFFFFFFF  }
0xad: {  	[dreg:$0x0] =	wrdreg $0x60  }
0xae: {  	[dreg:$0x2] =	wrdreg s24  }
0xaf: {  	[dreg:$0x3] =	wrdreg s2  }
0xb0: {  	[dreg:$0x4] =	wrdreg $0x68800  }
0xb1: {  	[dreg:$0x5] =	wrdreg $0x9  }
0xb2: {  	_ =	task.clear_ibuf [dreg:s7], $0x6FFFF;
	_ =	strace $0x90000046  }
0xb3: {  	s29 =	simm.s32 $0x9;
	_ =	strace $0x80000048  }
0xb4: {  	_ =	swait.ge [sflag:s29], $0x1  }
0xb5: {  	[sflag:s29] =	ssyncadd.s32 $0xFFFFFFFF  }
0xb6: {  	_ =	strace $0x90000048  }
0xb7: {  	_ =	sfence  }
0xb8: {  	s30 =	sld [smem:$0x0];
	_ =	sdelay $0x2  }
0xb9: {  	s31 =	sshll.u32 s1, $0xD;
	s1 =	sshrl.u32 s1, $0x2  }
0xba: {  	s3 =	sand.u32 $0x4000, s31;
	s1 =	sadd.s32 s1, s30  }
0xbb: {  	s0 =	sor.u32 s3, s0;
	s1 =	sshll.u32 s1, $0x11  }
0xbc: {  	s0 =	sor.u32 s1, s0  }
0xbd: {  	s0 =	sadd.s32 $0x8F2B, s0  }
0xbe: {  	[sflag:s0] =	ssyncadd.remote.s32 $0x1  }
0xbf: {  	_ =	sfence.sel $0xFFFF  }
0xc0: {  	[dreg:$0x0] =	wrdreg $0xFFFFFFFF;
	(pc) =	sbr.abs _section_cstart, $3  }
0xc1: {  	[dreg:$0x1] =	wrdreg $0xFFFFFFFF  }
0xc2: {  	_ =	task.clear_ibuf [dreg:s7], $0x2FFFF;
	_ =	strace $0x9FFFFFFF  }
0xc3: {  	(tm) =	ssettm $0x7FFFFFFF  }
tec
execute0_lowered:
.L_overlay_start_1:
0x0: {  	(tag) =	ssettag $0x1  }
0x1: {  	s6 =	rddreg [dreg:$0x0]  }
0x2: {  	s10 =	rddreg [dreg:$0x1]  }
0x3: {  	s2 =	rddreg [dreg:$0x2]  }
0x4: {  	s0 =	rddreg [dreg:$0x3];
	s1 =	stileid.u32  }
0x5: {  	s3 =	simm.s32 $0x0;
	s4 =	srdreg.scid;
	s17 =	simm.s32 $0x80  }
0x6: {  	s18 =	simm.s32 $0x100;
	s19 =	simm.s32 $0x1;
	s5 =	smul.u32 $0xA00, s1  }
0x7: {  	s20 =	simm.s32 $0x400;
	[smem:$0x7FF] =	sst s3;
	s8 =	smul.u32 $0x2780, s1  }
0x8: {  	s9 =	sand.u32 $0x1, s4;
	s22 =	sshrl.u32 s1, $0x2;
	s13 =	smul.u32 $0x4F000, s1  }
0x9: {  	s7 =	sshll.u32 s1, $0x8;
	s4 =	sadd.s32 $0x15000, s6;
	s12 =	smul.u32 $0x13C00, s22  }
0xa: {  	s29 =	sshll.u32 s1, $0x6;
	s21 =	sadd.s32 $0x128400, s2;
	s28 =	smul.u32 $0x27100, s9  }
0xb: {  	p0 =	seq.s32 s1, $0xF;
	s11 =	sshll.u32 s9, $0x7;
	s15 =	smul.u32 $0x138800, s9  }
0xc: {  	_ =	strace $0x80000047;
	s14 =	ssub.s32 $0x2, s9;
	s16 =	smul.u32 $0x500, s9  }
0xd: {  	s21 =	sshrl.u32 @p0 s21, $0x3;
	s7 =	sor.u32 s11, s7;
	s23 =	sadd.s32 s5, s6  }
0xe: {  	s25 =	sadd.s32 s8, s6;
	s5 =	sadd.s32 $0x3C200, s6;
	s26 =	sshrl.u32 s14, $0x1  }
0xf: {  	s13 =	sshrl.u32 s13, $0x2;
	s24 =	sand.u32 $0x380, s7;
	s14 =	ssub.s32 s14, s26  }
0x10: {  	s22 =	sadd.s32 s13, s2;
	s7 =	sor.u32 $0x1C02, s29;
	s13 =	sadd.s32 s8, s28  }
0x11: {  	s30 =	sshrl.u32 s15, $0x3;
	s31 =	sadd.s32 s16, s23;
	s15 =	simm.s32 $0x2  }
0x12: {  	s16 =	simm.s32 $0x4100;
	s23 =	simm.s32 $0x0;
	s12 =	sor.u32 s12, s24  }
0x13: {  	s9 =	sadd.s32 s10, s13;
	s10 =	sadd.s32 s10, s30;
	s11 =	smax.u32 s14, $0x1  }
0x14: {  	s13 =	sadd.s32 $0xB000, s31;
	s14 =	sshrl.u32 s22, $0x3;
	s12 =	sshrl.u32 s12, $0x3  }
0x15: {  	s22 =	sshrl.u32 @!p0 s22, $0x3;
	s10 =	sadd.s32 $0x25080, s10;
	s12 =	sadd.s32 s12, s6  }
0x16: {  	v0 =	vimm.f32 $1.000000000e+00;
	s6 =	sadd.s32 $0x3C800, s25;
	s8 =	sadd.s32 $0x64000, s12;
	s12 =	sadd.s32 $0x1000, s31  }
.LBB2_1:
0x17: {  	[spmem:s14], [sflag:s7] =	dma.local [hbm:s6], $0x2780  }
0x18: {  	_ =	swait.ge [sflag:s15], $0x2780  }
0x19: {  	[sflag:s15] =	ssyncset.done $0x0  }
0x1a: {  	[sflag:s15] =	ssyncadd.s32 $0xFFFFD880  }
0x1b: {  	[tilespmem:s16], [sflag:$0x2] =	stream.linear.gather [hbm4b:s5+s3], $0x2780, $0x38;
	[tilespmem:$0x1A480] =	vst v63  }
0x1c: {  	_ =	swait.ge [sflag:s15], $0x2780  }
0x1d: {  	[sflag:s15] =	ssyncset.done $0x0  }
0x1e: {  	[sflag:s15] =	ssyncadd.s32 $0xFFFFD880  }
0x1f: {  	s24 =	simm.s32 $0x0;
	[bflag:$0x0] =	sbarrier.arrive $0xFFFF  }
.LBB2_2:
0x20: {  	s25 =	sadd.s32 s24, s13  }
0x21: {  	[tilespmem:s3], [sflag:$0x2] =	stream.linear.gather [hbm4b:s25+s3], $0x80, $0x38;
	[tilespmem:$0x1A480] =	vst v63  }
0x22: {  	_ =	swait.ge [sflag:s15], $0x80  }
0x23: {  	[sflag:s15] =	ssyncset.done $0x0  }
0x24: {  	s31 =	sadd.s32 s24, s12;
	[sflag:s15] =	ssyncadd.s32 $0xFFFFFF80  }
0x25: {  	[tilespmem:s17], [sflag:$0x2] =	stream.linear.gather [hbm4b:s31+s3], $0x80, $0x38;
	[tilespmem:$0x1A480] =	vst v63  }
0x26: {  	_ =	swait.ge [sflag:s15], $0x80  }
0x27: {  	[sflag:s15] =	ssyncset.done $0x0  }
0x28: {  	[sflag:s15] =	ssyncadd.s32 $0xFFFFFF80  }
0x29: {  	[tilespmem:s18], [sflag:$0x1] =	stream.indirect.gather [hbm4b:s4+s17], $0x80, s3, s17, $0xb8;
	[tilespmem:$0x1A480] =	vst v63  }
0x2a: {  	_ =	swait.ge [sflag:s19], $0x4000  }
0x2b: {  	[sflag:s19] =	ssyncset.done $0x0  }
0x2c: {  	[sflag:s19] =	ssyncadd.s32 $0xFFFFC000  }
0x2d: {  	[spmem:s2] =	stream.indirect.scatter.add.f32 [tilespmem:s18], [sflag:$0x2], $0x80, s17, s17, $0xb8;
	[tilespmem:$0x1A480] =	vst v63  }
0x2e: {  	_ =	swait.ge [sflag:s15], $0x4000  }
0x2f: {  	[sflag:s15] =	ssyncset.done $0x0  }
0x30: {  	[sflag:s15] =	ssyncadd.s32 $0xFFFFC000  }
0x31: {  	v1 =	vld [tilespmem:$0x80];
	_ =	sdelay $0x7  }
0x32: {  	[tilespmem:v1+s16+$0x0] =	vst.idx.add.f32.msk $0xffff, v0  }
0x33: {  	v1 =	vld [tilespmem:$0x90];
	_ =	sdelay $0x7  }
0x34: {  	[tilespmem:v1+s16+$0x0] =	vst.idx.add.f32.msk $0xffff, v0  }
0x35: {  	v1 =	vld [tilespmem:$0xA0];
	_ =	sdelay $0x7  }
0x36: {  	[tilespmem:v1+s16+$0x0] =	vst.idx.add.f32.msk $0xffff, v0  }
0x37: {  	v1 =	vld [tilespmem:$0xB0];
	_ =	sdelay $0x7  }
0x38: {  	[tilespmem:v1+s16+$0x0] =	vst.idx.add.f32.msk $0xffff, v0  }
0x39: {  	v1 =	vld [tilespmem:$0xC0];
	_ =	sdelay $0x7  }
0x3a: {  	[tilespmem:v1+s16+$0x0] =	vst.idx.add.f32.msk $0xffff, v0  }
0x3b: {  	v1 =	vld [tilespmem:$0xD0];
	_ =	sdelay $0x7  }
0x3c: {  	[tilespmem:v1+s16+$0x0] =	vst.idx.add.f32.msk $0xffff, v0  }
0x3d: {  	v1 =	vld [tilespmem:$0xE0];
	_ =	sdelay $0x7  }
0x3e: {  	[tilespmem:v1+s16+$0x0] =	vst.idx.add.f32.msk $0xffff, v0  }
0x3f: {  	v1 =	vld [tilespmem:$0xF0];
	_ =	sdelay $0x2  }
0x40: {  	p1 =	sne.s32 s24, $0x4F0  }
.Ltmp0:
0x41: {  	_ = 	snop;
	(pc) =	sbr.rel @p1 .LBB2_2-.Ltmp0, $2  }
0x42: {  	_ =	sdelay $0x2  }
0x43: {  	s24 =	sadd.s32 $0x10, s24;
	[tilespmem:v1+s16+$0x0] =	vst.idx.add.f32.msk $0xffff, v0  }
0x44: {  	[hbm4b:s8+s17] =	stream.strided.scatter [tilespmem:s16], [sflag:$0x2], $0x2780, s20, s17, $0x38;
	[tilespmem:$0x1A480] =	vst v63  }
0x45: {  	_ =	swait.ge [sflag:s15], $0x2780  }
0x46: {  	[sflag:s15] =	ssyncset.done $0x0  }
0x47: {  	[sflag:s15] =	ssyncadd.s32 $0xFFFFD880  }
0x48: {  	s24 =	simm.s32 @p0 $0x2;
	[bflag:$0x0] =	sbarrier.arrive $0xFFFF  }
0x49: {  	[hbm:s10], [sflag:s7] =	dma.local @p0 [spmem:s21], $0x2080  }
0x4a: {  	s23 =	sadd.s32 $0x1, s23;
	_ =	swait.ge @p0 [sflag:s24], $0x2080  }
0x4b: {  	p1 =	sne.s32 s23, s11;
	[sflag:s24] =	ssyncset.done @p0 $0x0  }
.Ltmp1:
0x4c: {  	[sflag:s24] =	ssyncadd.s32 @p0 $0xFFFFDF80;
	s24 =	simm.s32 @!p0 $0x2;
	(pc) =	sbr.rel @p1 .LBB2_1-.Ltmp1, $4  }
0x4d: {  	[hbm:s9], [sflag:s7] =	dma.local @!p0 [spmem:s22], $0x2780  }
0x4e: {  	_ =	swait.ge @!p0 [sflag:s24], $0x2780  }
0x4f: {  	[sflag:s24] =	ssyncset.done @!p0 $0x0  }
0x50: {  	[sflag:s24] =	ssyncadd.s32 @!p0 $0xFFFFD880  }
0x51: {  	_ =	sfence.sel $0x180000  }
0x52: {  	[bflag:$0x0] =	sbarrier.arrive $0xFFFF  }
0x53: {  	p0 =	sne.s32 s1, $0x0;
	_ =	strace $0x90000047  }
0x54: {  	s0 =	sadd.s32 @!p0 $0x100000, s0;
	[bflag:$0x2] =	sbarrier.arrive $0xFFFF  }
0x55: {  	[sflag:s0] =	ssyncadd.tile.s32 @!p0 $0x1;
	_ =	shalt  }
.Lfunc_end2:
_tile_overlayer_lowered:
.L_overlay_start_2:
0x56: {  	(tag) =	ssettag $0x2  }
0x57: {  	s0 =	rddreg [dreg:$0x0];
	s2 =	stileid.u32  }
0x58: {  	s1 =	rddreg [dreg:$0x1];
	p0 =	sne.s32 s2, $0x0  }
0x59: {  	s3 =	rddreg [dreg:$0x2];
	[bflag:$0x3] =	sbarrier.arrive $0xFFFF;
	s2 =	simm.s32 @!p0 $0x1C02  }
0x5a: {  	[timem:s3], [sflag:s2] =	dma.local @!p0 [hbm:s0], s1  }
0x5b: {  	s0 =	simm.s32 @!p0 $0x2  }
0x5c: {  	_ =	swait.ge @!p0 [sflag:s0], s1  }
0x5d: {  	s1 =	ssub.s32 @!p0 $0x0, s1;
	[sflag:s0] =	ssyncset.done @!p0 $0x0  }
0x5e: {  	[sflag:s0] =	ssyncadd.s32 @!p0 s1  }
0x5f: {  	[bflag:$0x3] =	sbarrier.arrive $0xFFFF  }
0x60: {  	_ =	shalt  }

</sc_bundles>
